<compile_context>
chip_gen: v7x
topology: tpu7x:2x2x1
jax: 0.10.2.dev20260603
libtpu: 0.0.44.dev20260713+nightly
codegen_flags: <defaults>
</compile_context>

<pallas_src>
import functools

import jax
import jax.numpy as jnp
from jax import lax
from jax.experimental import pallas as pl
from jax.experimental.pallas import tpu as pltpu
from jax.experimental.pallas import tpu_sc as plsc

_LANES = 16


@functools.lru_cache(maxsize=None)
def _build_sc_kernel(B, D, NS, NQ):
    info = plsc.get_sparse_core_info()
    nc, ns, lanes = info.num_cores, info.num_subcores, info.num_lanes
    nw = nc * ns
    assert lanes == _LANES
    assert B % (8 * nw) == 0 and D == _LANES
    bpw = B // nw
    groups = bpw // lanes

    mesh = plsc.VectorSubcoreMesh(core_axis_name="c", subcore_axis_name="s")

    @functools.partial(
        pl.kernel,
        out_type=jax.ShapeDtypeStruct((B,), jnp.float32),
        mesh=mesh,
        compiler_params=pltpu.CompilerParams(
            needs_layout_passes=False, use_tc_tiling_on_sc=False),
        scratch_types=[
            pltpu.VMEM((bpw,), jnp.int32),
            pltpu.VMEM((bpw,), jnp.int32),
            pltpu.VMEM((bpw, D), jnp.float32),
            pltpu.VMEM((bpw, D), jnp.float32),
            pltpu.VMEM((bpw,), jnp.float32),
            pltpu.VMEM((bpw,), jnp.float32),
            pltpu.SemaphoreType.DMA,
        ],
    )
    def sc_kernel(sid_hbm, qid_hbm, theta_hbm, alpha_hbm, beta_hbm, out_hbm,
                  sidx_v, qidx_v, th_v, al_v, be_v, out_v, sem):
        wid = lax.axis_index("s") * nc + lax.axis_index("c")
        base = wid * bpw

        pltpu.sync_copy(sid_hbm.at[pl.ds(base, bpw)], sidx_v)
        pltpu.sync_copy(qid_hbm.at[pl.ds(base, bpw)], qidx_v)

        cp_th = pltpu.async_copy(theta_hbm.at[sidx_v], th_v, sem)
        cp_al = pltpu.async_copy(alpha_hbm.at[qidx_v], al_v, sem)
        cp_be = pltpu.async_copy(beta_hbm.at[qidx_v], be_v, sem)
        cp_th.wait()
        cp_al.wait()
        cp_be.wait()

        iota = lax.iota(jnp.int32, lanes)

        def group(g, carry):
            rows = g * lanes + iota
            acc = be_v[pl.ds(g * lanes, lanes)]
            for d in range(D):
                col = jnp.full((lanes,), d, jnp.int32)
                tv = plsc.load_gather(th_v, [rows, col])
                av = plsc.load_gather(al_v, [rows, col])
                acc = acc + tv * av
            out_v[pl.ds(g * lanes, lanes)] = 1.0 / (1.0 + jnp.exp(-acc))
            return carry

        lax.fori_loop(0, groups, group, 0)

        pltpu.sync_copy(out_v, out_hbm.at[pl.ds(base, bpw)])

    return sc_kernel


def kernel(student_ids, question_ids, theta, alpha, beta):
    B = student_ids.shape[0]
    NS, D = theta.shape
    NQ = alpha.shape[0]
    fn = _build_sc_kernel(B, D, NS, NQ)
    out = fn(student_ids.astype(jnp.int32), question_ids.astype(jnp.int32),
             theta, alpha, beta.reshape(-1))
    return out.reshape(B, 1)

# --- scband reference (transcript-rebuilt; emitter-appended) ---
"""Pipeline reference for scband-irt-12163347382455 (READ-ONLY COPY).

The authoritative reference and input builder live on the scoring server;
editing this copy changes nothing except your own understanding.
"""

import jax, jax.numpy as jnp
import numpy as np

NUM_STUDENTS = 1000000
NUM_QUESTIONS = 100000
NUM_DIM = 16
BATCH = 16384


def setup_inputs(seed: int = 0) -> dict:
    key = jax.random.key(seed)
    k1, k2, k3, k4, k5 = jax.random.split(key, 5)
    student_ids = jax.random.randint(k1, (BATCH,), 0, NUM_STUDENTS, dtype=jnp.int64 if jax.config.jax_enable_x64 else jnp.int32)
    question_ids = jax.random.randint(k2, (BATCH,), 0, NUM_QUESTIONS, dtype=jnp.int64 if jax.config.jax_enable_x64 else jnp.int32)
    # xavier_normal_ init: std = sqrt(2 / (fan_in + fan_out))
    theta = jax.random.normal(k3, (NUM_STUDENTS, NUM_DIM), dtype=jnp.float32) * np.sqrt(2.0 / (NUM_STUDENTS + NUM_DIM))
    alpha = jax.random.normal(k4, (NUM_QUESTIONS, NUM_DIM), dtype=jnp.float32) * np.sqrt(2.0 / (NUM_QUESTIONS + NUM_DIM))
    beta = jax.random.normal(k5, (NUM_QUESTIONS, 1), dtype=jnp.float32) * np.sqrt(2.0 / (NUM_QUESTIONS + 1))
    return {"student_ids": student_ids, "question_ids": question_ids, "theta": theta, "alpha": alpha, "beta": beta}


def reference(student_ids, question_ids, theta, alpha, beta):
    th = jnp.take(theta, student_ids, axis=0)      # [B, D]
    al = jnp.take(alpha, question_ids, axis=0)     # [B, D]
    be = jnp.take(beta, question_ids, axis=0)      # [B, 1]
    pred = jnp.sum(al * th, axis=1, keepdims=True) + be
    pred = jax.nn.sigmoid(pred)
    return pred

if __name__ == "__main__":
    import jax
    _d = setup_inputs()
    print(jax.jit(kernel)(*tuple(_d.values())))

</pallas_src>

<mosaic_0001>
#map = affine_map<(d0, d1) -> (0)>
#map1 = affine_map<(d0, d1) -> (0, 0)>
module attributes {stable_mosaic.version = 14 : i64} {
  func.func @sc_kernel(%arg0: i32, %arg1: i32, %arg2: memref<16384xi32, #tpu.memory_space<hbm>>, %arg3: memref<16384xi32, #tpu.memory_space<hbm>>, %arg4: memref<1000000x16xf32, #tpu.memory_space<hbm>>, %arg5: memref<100000x16xf32, #tpu.memory_space<hbm>>, %arg6: memref<100000xf32, #tpu.memory_space<hbm>>, %arg7: memref<16384xf32, #tpu.memory_space<hbm>>, %arg8: memref<512xi32, #tpu.memory_space<vmem>>, %arg9: memref<512xi32, #tpu.memory_space<vmem>>, %arg10: memref<512x16xf32, #tpu.memory_space<vmem>>, %arg11: memref<512x16xf32, #tpu.memory_space<vmem>>, %arg12: memref<512xf32, #tpu.memory_space<vmem>>, %arg13: memref<512xf32, #tpu.memory_space<vmem>>, %arg14: memref<!tpu.dma_semaphore, #tpu.memory_space<semaphore_mem>>) attributes {dimension_semantics = [#tpu.dimension_semantics<core_parallel>, #tpu.dimension_semantics<subcore_parallel>], iteration_bounds = array<i64: 2, 16>, scalar_prefetch = 0 : i64, scratch_operands = 7 : i64, tpu.core_type = #tpu.core_type<sc_vector_subcore>, window_params = [{transform_indices = #map}, {transform_indices = #map}, {transform_indices = #map1}, {transform_indices = #map1}, {transform_indices = #map}, {transform_indices = #map}]} {
    %mul3A = arith.constant 2 : i32
    %mul3A_0 = arith.muli %arg1, %mul3A : i32
    %add3A = arith.addi %mul3A_0, %arg0 : i32
    %mul3A_1 = arith.constant 512 : i32
    %mul3A_2 = arith.muli %add3A, %mul3A_1 : i32
    "tpu.region"() ({
      %run_scoped3A = tpu.sem_alloc : memref<!tpu.dma_semaphore, #tpu.memory_space<semaphore_mem>>
      %dma_start3A_22 = tpu.memref_slice %arg2[%mul3A_2] : memref<16384xi32, #tpu.memory_space<hbm>> -> memref<512xi32, #tpu.memory_space<hbm>>
      %dma_start3A_23 = tpu.memref_slice %arg2[%mul3A_2] : memref<16384xi32, #tpu.memory_space<hbm>> -> memref<512xi32, #tpu.memory_space<hbm>>
      tpu.enqueue_dma source(%dma_start3A_23 : memref<512xi32, #tpu.memory_space<hbm>>) target(%arg8 : memref<512xi32, #tpu.memory_space<vmem>>) target_semaphore(%run_scoped3A : memref<!tpu.dma_semaphore, #tpu.memory_space<semaphore_mem>>)
      %dma_wait3A_24 = tpu.memref_slice %arg2[%mul3A_2] : memref<16384xi32, #tpu.memory_space<hbm>> -> memref<512xi32, #tpu.memory_space<hbm>>
      %dma_wait3A_25 = tpu.memref_slice %arg2[%mul3A_2] : memref<16384xi32, #tpu.memory_space<hbm>> -> memref<512xi32, #tpu.memory_space<hbm>>
      tpu.wait_dma2 semaphore(%run_scoped3A : memref<!tpu.dma_semaphore, #tpu.memory_space<semaphore_mem>>) src(%dma_wait3A_25 : memref<512xi32, #tpu.memory_space<hbm>>) dst(%arg8 : memref<512xi32, #tpu.memory_space<vmem>>)
      tpu.yield
    }) : () -> ()
    "tpu.region"() ({
      %run_scoped3A = tpu.sem_alloc : memref<!tpu.dma_semaphore, #tpu.memory_space<semaphore_mem>>
      %dma_start3A_22 = tpu.memref_slice %arg3[%mul3A_2] : memref<16384xi32, #tpu.memory_space<hbm>> -> memref<512xi32, #tpu.memory_space<hbm>>
      %dma_start3A_23 = tpu.memref_slice %arg3[%mul3A_2] : memref<16384xi32, #tpu.memory_space<hbm>> -> memref<512xi32, #tpu.memory_space<hbm>>
      tpu.enqueue_dma source(%dma_start3A_23 : memref<512xi32, #tpu.memory_space<hbm>>) target(%arg9 : memref<512xi32, #tpu.memory_space<vmem>>) target_semaphore(%run_scoped3A : memref<!tpu.dma_semaphore, #tpu.memory_space<semaphore_mem>>)
      %dma_wait3A_24 = tpu.memref_slice %arg3[%mul3A_2] : memref<16384xi32, #tpu.memory_space<hbm>> -> memref<512xi32, #tpu.memory_space<hbm>>
      %dma_wait3A_25 = tpu.memref_slice %arg3[%mul3A_2] : memref<16384xi32, #tpu.memory_space<hbm>> -> memref<512xi32, #tpu.memory_space<hbm>>
      tpu.wait_dma2 semaphore(%run_scoped3A : memref<!tpu.dma_semaphore, #tpu.memory_space<semaphore_mem>>) src(%dma_wait3A_25 : memref<512xi32, #tpu.memory_space<hbm>>) dst(%arg9 : memref<512xi32, #tpu.memory_space<vmem>>)
      tpu.yield
    }) : () -> ()
    %dma_start3A = arith.constant 0 : i32
    %dma_start3A_3 = arith.constant 0 : i32
    %dma_start3A_4 = tpu.memref_slice %arg4[%dma_start3A, %dma_start3A_3] : memref<1000000x16xf32, #tpu.memory_space<hbm>> -> memref<1000000x16xf32, #tpu.memory_space<hbm>>
    tpu.enqueue_indirect_dma source(%dma_start3A_4 : memref<1000000x16xf32, #tpu.memory_space<hbm>>) target(%arg10 : memref<512x16xf32, #tpu.memory_space<vmem>>) offsets(%arg8 : memref<512xi32, #tpu.memory_space<vmem>>) semaphore(%arg14 : memref<!tpu.dma_semaphore, #tpu.memory_space<semaphore_mem>>)
    %dma_start3A_5 = arith.constant 0 : i32
    %dma_start3A_6 = arith.constant 0 : i32
    %dma_start3A_7 = tpu.memref_slice %arg5[%dma_start3A_5, %dma_start3A_6] : memref<100000x16xf32, #tpu.memory_space<hbm>> -> memref<100000x16xf32, #tpu.memory_space<hbm>>
    tpu.enqueue_indirect_dma source(%dma_start3A_7 : memref<100000x16xf32, #tpu.memory_space<hbm>>) target(%arg11 : memref<512x16xf32, #tpu.memory_space<vmem>>) offsets(%arg9 : memref<512xi32, #tpu.memory_space<vmem>>) semaphore(%arg14 : memref<!tpu.dma_semaphore, #tpu.memory_space<semaphore_mem>>)
    %dma_start3A_8 = arith.constant 0 : i32
    %dma_start3A_9 = tpu.memref_slice %arg6[%dma_start3A_8] : memref<100000xf32, #tpu.memory_space<hbm>> -> memref<100000xf32, #tpu.memory_space<hbm>>
    tpu.enqueue_indirect_dma source(%dma_start3A_9 : memref<100000xf32, #tpu.memory_space<hbm>>) target(%arg12 : memref<512xf32, #tpu.memory_space<vmem>>) offsets(%arg9 : memref<512xi32, #tpu.memory_space<vmem>>) semaphore(%arg14 : memref<!tpu.dma_semaphore, #tpu.memory_space<semaphore_mem>>)
    %dma_wait3A = arith.constant 0 : i32
    %dma_wait3A_10 = arith.constant 0 : i32
    %dma_wait3A_11 = tpu.memref_slice %arg4[%dma_wait3A, %dma_wait3A_10] : memref<1000000x16xf32, #tpu.memory_space<hbm>> -> memref<1000000x16xf32, #tpu.memory_space<hbm>>
    tpu.wait_indirect_dma semaphore(%arg14 : memref<!tpu.dma_semaphore, #tpu.memory_space<semaphore_mem>>) src(%dma_wait3A_11 : memref<1000000x16xf32, #tpu.memory_space<hbm>>) dst(%arg10 : memref<512x16xf32, #tpu.memory_space<vmem>>)
    %dma_wait3A_12 = arith.constant 0 : i32
    %dma_wait3A_13 = arith.constant 0 : i32
    %dma_wait3A_14 = tpu.memref_slice %arg5[%dma_wait3A_12, %dma_wait3A_13] : memref<100000x16xf32, #tpu.memory_space<hbm>> -> memref<100000x16xf32, #tpu.memory_space<hbm>>
    tpu.wait_indirect_dma semaphore(%arg14 : memref<!tpu.dma_semaphore, #tpu.memory_space<semaphore_mem>>) src(%dma_wait3A_14 : memref<100000x16xf32, #tpu.memory_space<hbm>>) dst(%arg11 : memref<512x16xf32, #tpu.memory_space<vmem>>)
    %dma_wait3A_15 = arith.constant 0 : i32
    %dma_wait3A_16 = tpu.memref_slice %arg6[%dma_wait3A_15] : memref<100000xf32, #tpu.memory_space<hbm>> -> memref<100000xf32, #tpu.memory_space<hbm>>
    tpu.wait_indirect_dma semaphore(%arg14 : memref<!tpu.dma_semaphore, #tpu.memory_space<semaphore_mem>>) src(%dma_wait3A_16 : memref<100000xf32, #tpu.memory_space<hbm>>) dst(%arg12 : memref<512xf32, #tpu.memory_space<vmem>>)
    %iota3A = tpu.iota {dimensions = array<i32: 0>} : vector<16xi32>
    %scan3A = arith.constant 0 : i32
    %scan3A_17 = arith.constant 0 : i32
    %scan3A_18 = arith.constant 32 : i32
    %scan3A_19 = arith.addi %scan3A_17, %scan3A_18 : i32
    %scan3A_20 = arith.constant 1 : i32
    scf.for %scan3A_22 = %scan3A_17 to %scan3A_19 step %scan3A_20  : i32 {
      %mul3A_23 = arith.constant 16 : i32
      %mul3A_24 = arith.muli %scan3A_22, %mul3A_23 : i32
      %add3A_25 = vector.broadcast %mul3A_24 : i32 to vector<16xi32>
      %add3A_26 = arith.addi %add3A_25, %iota3A : vector<16xi32>
      %mul3A_27 = arith.constant 16 : i32
      %mul3A_28 = arith.muli %scan3A_22, %mul3A_27 : i32
      %get3A = arith.index_cast %mul3A_28 : i32 to index
      %get3A_29 = tpu.vector_load %arg12[%get3A] {strides = array<i32>} : memref<512xf32, #tpu.memory_space<vmem>>, vector<16xf32>,
      %broadcast_in_dim3A = arith.constant 0 : i32
      %broadcast_in_dim3A_30 = vector.broadcast %broadcast_in_dim3A : i32 to vector<16xi32>
      %gather3A = tpu.vector_load_idx %arg10[%add3A_26, %broadcast_in_dim3A_30] : memref<512x16xf32, #tpu.memory_space<vmem>>[vector<16xi32>, vector<16xi32>], vector<16xf32>,
      %gather3A_31 = tpu.vector_load_idx %arg11[%add3A_26, %broadcast_in_dim3A_30] : memref<512x16xf32, #tpu.memory_space<vmem>>[vector<16xi32>, vector<16xi32>], vector<16xf32>,
      %mul3A_32 = arith.mulf %gather3A, %gather3A_31 : vector<16xf32>
      %add3A_33 = arith.addf %get3A_29, %mul3A_32 : vector<16xf32>
      %broadcast_in_dim3A_34 = arith.constant 1 : i32
      %broadcast_in_dim3A_35 = vector.broadcast %broadcast_in_dim3A_34 : i32 to vector<16xi32>
      %gather3A_36 = tpu.vector_load_idx %arg10[%add3A_26, %broadcast_in_dim3A_35] : memref<512x16xf32, #tpu.memory_space<vmem>>[vector<16xi32>, vector<16xi32>], vector<16xf32>,
      %gather3A_37 = tpu.vector_load_idx %arg11[%add3A_26, %broadcast_in_dim3A_35] : memref<512x16xf32, #tpu.memory_space<vmem>>[vector<16xi32>, vector<16xi32>], vector<16xf32>,
      %mul3A_38 = arith.mulf %gather3A_36, %gather3A_37 : vector<16xf32>
      %add3A_39 = arith.addf %add3A_33, %mul3A_38 : vector<16xf32>
      %broadcast_in_dim3A_40 = arith.constant 2 : i32
      %broadcast_in_dim3A_41 = vector.broadcast %broadcast_in_dim3A_40 : i32 to vector<16xi32>
      %gather3A_42 = tpu.vector_load_idx %arg10[%add3A_26, %broadcast_in_dim3A_41] : memref<512x16xf32, #tpu.memory_space<vmem>>[vector<16xi32>, vector<16xi32>], vector<16xf32>,
      %gather3A_43 = tpu.vector_load_idx %arg11[%add3A_26, %broadcast_in_dim3A_41] : memref<512x16xf32, #tpu.memory_space<vmem>>[vector<16xi32>, vector<16xi32>], vector<16xf32>,
      %mul3A_44 = arith.mulf %gather3A_42, %gather3A_43 : vector<16xf32>
      %add3A_45 = arith.addf %add3A_39, %mul3A_44 : vector<16xf32>
      %broadcast_in_dim3A_46 = arith.constant 3 : i32
      %broadcast_in_dim3A_47 = vector.broadcast %broadcast_in_dim3A_46 : i32 to vector<16xi32>
      %gather3A_48 = tpu.vector_load_idx %arg10[%add3A_26, %broadcast_in_dim3A_47] : memref<512x16xf32, #tpu.memory_space<vmem>>[vector<16xi32>, vector<16xi32>], vector<16xf32>,
      %gather3A_49 = tpu.vector_load_idx %arg11[%add3A_26, %broadcast_in_dim3A_47] : memref<512x16xf32, #tpu.memory_space<vmem>>[vector<16xi32>, vector<16xi32>], vector<16xf32>,
      %mul3A_50 = arith.mulf %gather3A_48, %gather3A_49 : vector<16xf32>
      %add3A_51 = arith.addf %add3A_45, %mul3A_50 : vector<16xf32>
      %broadcast_in_dim3A_52 = arith.constant 4 : i32
      %broadcast_in_dim3A_53 = vector.broadcast %broadcast_in_dim3A_52 : i32 to vector<16xi32>
      %gather3A_54 = tpu.vector_load_idx %arg10[%add3A_26, %broadcast_in_dim3A_53] : memref<512x16xf32, #tpu.memory_space<vmem>>[vector<16xi32>, vector<16xi32>], vector<16xf32>,
      %gather3A_55 = tpu.vector_load_idx %arg11[%add3A_26, %broadcast_in_dim3A_53] : memref<512x16xf32, #tpu.memory_space<vmem>>[vector<16xi32>, vector<16xi32>], vector<16xf32>,
      %mul3A_56 = arith.mulf %gather3A_54, %gather3A_55 : vector<16xf32>
      %add3A_57 = arith.addf %add3A_51, %mul3A_56 : vector<16xf32>
      %broadcast_in_dim3A_58 = arith.constant 5 : i32
      %broadcast_in_dim3A_59 = vector.broadcast %broadcast_in_dim3A_58 : i32 to vector<16xi32>
      %gather3A_60 = tpu.vector_load_idx %arg10[%add3A_26, %broadcast_in_dim3A_59] : memref<512x16xf32, #tpu.memory_space<vmem>>[vector<16xi32>, vector<16xi32>], vector<16xf32>,
      %gather3A_61 = tpu.vector_load_idx %arg11[%add3A_26, %broadcast_in_dim3A_59] : memref<512x16xf32, #tpu.memory_space<vmem>>[vector<16xi32>, vector<16xi32>], vector<16xf32>,
      %mul3A_62 = arith.mulf %gather3A_60, %gather3A_61 : vector<16xf32>
      %add3A_63 = arith.addf %add3A_57, %mul3A_62 : vector<16xf32>
      %broadcast_in_dim3A_64 = arith.constant 6 : i32
      %broadcast_in_dim3A_65 = vector.broadcast %broadcast_in_dim3A_64 : i32 to vector<16xi32>
      %gather3A_66 = tpu.vector_load_idx %arg10[%add3A_26, %broadcast_in_dim3A_65] : memref<512x16xf32, #tpu.memory_space<vmem>>[vector<16xi32>, vector<16xi32>], vector<16xf32>,
      %gather3A_67 = tpu.vector_load_idx %arg11[%add3A_26, %broadcast_in_dim3A_65] : memref<512x16xf32, #tpu.memory_space<vmem>>[vector<16xi32>, vector<16xi32>], vector<16xf32>,
      %mul3A_68 = arith.mulf %gather3A_66, %gather3A_67 : vector<16xf32>
      %add3A_69 = arith.addf %add3A_63, %mul3A_68 : vector<16xf32>
      %broadcast_in_dim3A_70 = arith.constant 7 : i32
      %broadcast_in_dim3A_71 = vector.broadcast %broadcast_in_dim3A_70 : i32 to vector<16xi32>
      %gather3A_72 = tpu.vector_load_idx %arg10[%add3A_26, %broadcast_in_dim3A_71] : memref<512x16xf32, #tpu.memory_space<vmem>>[vector<16xi32>, vector<16xi32>], vector<16xf32>,
      %gather3A_73 = tpu.vector_load_idx %arg11[%add3A_26, %broadcast_in_dim3A_71] : memref<512x16xf32, #tpu.memory_space<vmem>>[vector<16xi32>, vector<16xi32>], vector<16xf32>,
      %mul3A_74 = arith.mulf %gather3A_72, %gather3A_73 : vector<16xf32>
      %add3A_75 = arith.addf %add3A_69, %mul3A_74 : vector<16xf32>
      %broadcast_in_dim3A_76 = arith.constant 8 : i32
      %broadcast_in_dim3A_77 = vector.broadcast %broadcast_in_dim3A_76 : i32 to vector<16xi32>
      %gather3A_78 = tpu.vector_load_idx %arg10[%add3A_26, %broadcast_in_dim3A_77] : memref<512x16xf32, #tpu.memory_space<vmem>>[vector<16xi32>, vector<16xi32>], vector<16xf32>,
      %gather3A_79 = tpu.vector_load_idx %arg11[%add3A_26, %broadcast_in_dim3A_77] : memref<512x16xf32, #tpu.memory_space<vmem>>[vector<16xi32>, vector<16xi32>], vector<16xf32>,
      %mul3A_80 = arith.mulf %gather3A_78, %gather3A_79 : vector<16xf32>
      %add3A_81 = arith.addf %add3A_75, %mul3A_80 : vector<16xf32>
      %broadcast_in_dim3A_82 = arith.constant 9 : i32
      %broadcast_in_dim3A_83 = vector.broadcast %broadcast_in_dim3A_82 : i32 to vector<16xi32>
      %gather3A_84 = tpu.vector_load_idx %arg10[%add3A_26, %broadcast_in_dim3A_83] : memref<512x16xf32, #tpu.memory_space<vmem>>[vector<16xi32>, vector<16xi32>], vector<16xf32>,
      %gather3A_85 = tpu.vector_load_idx %arg11[%add3A_26, %broadcast_in_dim3A_83] : memref<512x16xf32, #tpu.memory_space<vmem>>[vector<16xi32>, vector<16xi32>], vector<16xf32>,
      %mul3A_86 = arith.mulf %gather3A_84, %gather3A_85 : vector<16xf32>
      %add3A_87 = arith.addf %add3A_81, %mul3A_86 : vector<16xf32>
      %broadcast_in_dim3A_88 = arith.constant 10 : i32
      %broadcast_in_dim3A_89 = vector.broadcast %broadcast_in_dim3A_88 : i32 to vector<16xi32>
      %gather3A_90 = tpu.vector_load_idx %arg10[%add3A_26, %broadcast_in_dim3A_89] : memref<512x16xf32, #tpu.memory_space<vmem>>[vector<16xi32>, vector<16xi32>], vector<16xf32>,
      %gather3A_91 = tpu.vector_load_idx %arg11[%add3A_26, %broadcast_in_dim3A_89] : memref<512x16xf32, #tpu.memory_space<vmem>>[vector<16xi32>, vector<16xi32>], vector<16xf32>,
      %mul3A_92 = arith.mulf %gather3A_90, %gather3A_91 : vector<16xf32>
      %add3A_93 = arith.addf %add3A_87, %mul3A_92 : vector<16xf32>
      %broadcast_in_dim3A_94 = arith.constant 11 : i32
      %broadcast_in_dim3A_95 = vector.broadcast %broadcast_in_dim3A_94 : i32 to vector<16xi32>
      %gather3A_96 = tpu.vector_load_idx %arg10[%add3A_26, %broadcast_in_dim3A_95] : memref<512x16xf32, #tpu.memory_space<vmem>>[vector<16xi32>, vector<16xi32>], vector<16xf32>,
      %gather3A_97 = tpu.vector_load_idx %arg11[%add3A_26, %broadcast_in_dim3A_95] : memref<512x16xf32, #tpu.memory_space<vmem>>[vector<16xi32>, vector<16xi32>], vector<16xf32>,
      %mul3A_98 = arith.mulf %gather3A_96, %gather3A_97 : vector<16xf32>
      %add3A_99 = arith.addf %add3A_93, %mul3A_98 : vector<16xf32>
      %broadcast_in_dim3A_100 = arith.constant 12 : i32
      %broadcast_in_dim3A_101 = vector.broadcast %broadcast_in_dim3A_100 : i32 to vector<16xi32>
      %gather3A_102 = tpu.vector_load_idx %arg10[%add3A_26, %broadcast_in_dim3A_101] : memref<512x16xf32, #tpu.memory_space<vmem>>[vector<16xi32>, vector<16xi32>], vector<16xf32>,
      %gather3A_103 = tpu.vector_load_idx %arg11[%add3A_26, %broadcast_in_dim3A_101] : memref<512x16xf32, #tpu.memory_space<vmem>>[vector<16xi32>, vector<16xi32>], vector<16xf32>,
      %mul3A_104 = arith.mulf %gather3A_102, %gather3A_103 : vector<16xf32>
      %add3A_105 = arith.addf %add3A_99, %mul3A_104 : vector<16xf32>
      %broadcast_in_dim3A_106 = arith.constant 13 : i32
      %broadcast_in_dim3A_107 = vector.broadcast %broadcast_in_dim3A_106 : i32 to vector<16xi32>
      %gather3A_108 = tpu.vector_load_idx %arg10[%add3A_26, %broadcast_in_dim3A_107] : memref<512x16xf32, #tpu.memory_space<vmem>>[vector<16xi32>, vector<16xi32>], vector<16xf32>,
      %gather3A_109 = tpu.vector_load_idx %arg11[%add3A_26, %broadcast_in_dim3A_107] : memref<512x16xf32, #tpu.memory_space<vmem>>[vector<16xi32>, vector<16xi32>], vector<16xf32>,
      %mul3A_110 = arith.mulf %gather3A_108, %gather3A_109 : vector<16xf32>
      %add3A_111 = arith.addf %add3A_105, %mul3A_110 : vector<16xf32>
      %broadcast_in_dim3A_112 = arith.constant 14 : i32
      %broadcast_in_dim3A_113 = vector.broadcast %broadcast_in_dim3A_112 : i32 to vector<16xi32>
      %gather3A_114 = tpu.vector_load_idx %arg10[%add3A_26, %broadcast_in_dim3A_113] : memref<512x16xf32, #tpu.memory_space<vmem>>[vector<16xi32>, vector<16xi32>], vector<16xf32>,
      %gather3A_115 = tpu.vector_load_idx %arg11[%add3A_26, %broadcast_in_dim3A_113] : memref<512x16xf32, #tpu.memory_space<vmem>>[vector<16xi32>, vector<16xi32>], vector<16xf32>,
      %mul3A_116 = arith.mulf %gather3A_114, %gather3A_115 : vector<16xf32>
      %add3A_117 = arith.addf %add3A_111, %mul3A_116 : vector<16xf32>
      %broadcast_in_dim3A_118 = arith.constant 15 : i32
      %broadcast_in_dim3A_119 = vector.broadcast %broadcast_in_dim3A_118 : i32 to vector<16xi32>
      %gather3A_120 = tpu.vector_load_idx %arg10[%add3A_26, %broadcast_in_dim3A_119] : memref<512x16xf32, #tpu.memory_space<vmem>>[vector<16xi32>, vector<16xi32>], vector<16xf32>,
      %gather3A_121 = tpu.vector_load_idx %arg11[%add3A_26, %broadcast_in_dim3A_119] : memref<512x16xf32, #tpu.memory_space<vmem>>[vector<16xi32>, vector<16xi32>], vector<16xf32>,
      %mul3A_122 = arith.mulf %gather3A_120, %gather3A_121 : vector<16xf32>
      %add3A_123 = arith.addf %add3A_117, %mul3A_122 : vector<16xf32>
      %neg3A = arith.constant 0.000000e+00 : f32
      %neg3A_124 = vector.broadcast %neg3A : f32 to vector<16xf32>
      %neg3A_125 = arith.subf %neg3A_124, %add3A_123 : vector<16xf32>
      %exp3A = math.exp %neg3A_125 : vector<16xf32>
      %add3A_126 = arith.constant 1.000000e+00 : f32
      %add3A_127 = vector.broadcast %add3A_126 : f32 to vector<16xf32>
      %add3A_128 = arith.addf %add3A_127, %exp3A : vector<16xf32>
      %div3A = arith.constant 1.000000e+00 : f32
      %div3A_129 = vector.broadcast %div3A : f32 to vector<16xf32>
      %div3A_130 = arith.divf %div3A_129, %add3A_128 : vector<16xf32>
      %mul3A_131 = arith.constant 16 : i32
      %mul3A_132 = arith.muli %scan3A_22, %mul3A_131 : i32
      %swap3A = arith.index_cast %mul3A_132 : i32 to index
      %swap3A_133 = tpu.vector_load %arg13[%swap3A] {strides = array<i32>} : memref<512xf32, #tpu.memory_space<vmem>>, vector<16xf32>,
      tpu.vector_store %arg13[%swap3A], %div3A_130 {strides = array<i32>} : memref<512xf32, #tpu.memory_space<vmem>>, vector<16xf32>,
    }
    %scan3A_21 = arith.constant 32 : i32
    "tpu.region"() ({
      %run_scoped3A = tpu.sem_alloc : memref<!tpu.dma_semaphore, #tpu.memory_space<semaphore_mem>>
      %dma_start3A_22 = tpu.memref_slice %arg7[%mul3A_2] : memref<16384xf32, #tpu.memory_space<hbm>> -> memref<512xf32, #tpu.memory_space<hbm>>
      %dma_start3A_23 = tpu.memref_slice %arg7[%mul3A_2] : memref<16384xf32, #tpu.memory_space<hbm>> -> memref<512xf32, #tpu.memory_space<hbm>>
      tpu.enqueue_dma source(%arg13 : memref<512xf32, #tpu.memory_space<vmem>>) target(%dma_start3A_23 : memref<512xf32, #tpu.memory_space<hbm>>) target_semaphore(%run_scoped3A : memref<!tpu.dma_semaphore, #tpu.memory_space<semaphore_mem>>)
      %dma_wait3A_24 = tpu.memref_slice %arg7[%mul3A_2] : memref<16384xf32, #tpu.memory_space<hbm>> -> memref<512xf32, #tpu.memory_space<hbm>>
      %dma_wait3A_25 = tpu.memref_slice %arg7[%mul3A_2] : memref<16384xf32, #tpu.memory_space<hbm>> -> memref<512xf32, #tpu.memory_space<hbm>>
      tpu.wait_dma2 semaphore(%run_scoped3A : memref<!tpu.dma_semaphore, #tpu.memory_space<semaphore_mem>>) src(%arg13 : memref<512xf32, #tpu.memory_space<vmem>>) dst(%dma_wait3A_25 : memref<512xf32, #tpu.memory_space<hbm>>)
      tpu.yield
    }) : () -> ()
    return
  }
}

</mosaic_0001>

<sc_bundles>
// kernel: kernel.3.cloned.1.call-start
scs
__scs_entry_jumppad:
0x0: {  	(pc) =	sbr.rel $0x88, $3  }
0x1: {  	(tag) =	ssettag $0x0;
	lr =	simm.s32 $0x1  }
0x2: {  	[smem:$0x3F9C] =	sst lr;
	_ =	strace $0xD0000000  }
0x3: {  	_ = 	snop  }
0x4: {  	_ = 	snop  }
0x5: {  	_ = 	snop  }
0x6: {  	_ = 	snop  }
0x7: {  	_ = 	snop  }
__scs_overlays_trampoline_lowered:
0x8: {  	[smem:$0x3FAB] =	sst s0  }
0x9: {  	[smem:$0x3FAC] =	sst s1  }
0xa: {  	[smem:$0x3FAD] =	sst s2  }
0xb: {  	[smem:$0x3FAE] =	sst s3  }
0xc: {  	[smem:$0x3FAF] =	sst s4  }
0xd: {  	[smem:$0x3FB0] =	sst s5  }
0xe: {  	[smem:$0x3FB1] =	sst s6  }
0xf: {  	[smem:$0x3FB2] =	sst s7  }
0x10: {  	[smem:$0x3FB3] =	sst s8  }
0x11: {  	[smem:$0x3FB4] =	sst s9;
	s0 =	simm.s32 @!p0 $0x0  }
0x12: {  	s1 =	sld [smem:$0x3F9A];
	s0 =	simm.s32 @p0 $0x1  }
0x13: {  	[smem:$0x3FB5] =	sst s0;
	s0 =	simm.s32 @!p1 $0x0  }
0x14: {  	s2 =	sld [smem:$0x3F99];
	s0 =	simm.s32 @p1 $0x1  }
0x15: {  	[smem:$0x3FB6] =	sst s0;
	s0 =	simm.s32 @!p2 $0x0  }
0x16: {  	s3 =	sld [smem:$0x3FDB];
	s0 =	simm.s32 @p2 $0x1  }
0x17: {  	s4 =	simm.s32 $0x1BF5;
	[smem:$0x3FB8] =	sst s0  }
0x18: {  	s0 =	sld [smem:$0x3F9B];
	_ =	swait.ge [sflag:s4], $0x0  }
0x19: {  	s7 =	sld [smem:$0x3F9C]  }
0x1a: {  	s8 =	sadd.s32 $0xFFFFE003, lr  }
0x1b: {  	s9 =	sadd.s32 $0xFFFFFEF7, lr;
	s5 =	simm.s32 $0xFFFFFFFF;
	p2 =	slt.u32 s8, $0xFFFFF086  }
0x1c: {  	p1 =	slt.u32 s9, $0xF7A;
	s5 =	simm.s32 @!p2 $0x0  }
0x1d: {  	s5 =	simm.s32 @p1 $0x1;
	p0 =	seq.s32 s7, s2  }
0x1e: {  	s7 =	smul.u32 @!p0 $0xF7A, s2;
	p2 =	seq.s32 @!p0 s5, $0x0  }
0x1f: {  	s9 =	smul.u32 $0xF7A, s1;
	s8 =	simm.s32 @!p0 $0x1BF5;
	p2 =	por !p2, p0  }
0x20: {  	[sflag:s8] =	ssyncset.s32 @!p0 $0xFFFFF086;
	s6 =	sadd.s32 @!p0 s3, s7;
	s7 =	simm.s32 @!p0 $0x108  }
0x21: {  	s3 =	sadd.s32 s3, s9;
	s6 =	sadd.s32 @!p0 $0x88, s6;
	s7 =	simm.s32 @p2 $0x1082  }
0x22: {  	[simem:s7], [sflag:s8] =	dma.local @!p0 [hbm:s6], $0xF7A  }
0x23: {  	s9 =	sor.u32 $0xD0000000, s2;
	s6 =	simm.s32 $0x108;
	_ =	swait.ge @!p0 [sflag:s8], $0x0  }
0x24: {  	s3 =	sadd.s32 $0x88, s3;
	s6 =	simm.s32 @!p1 $0x1082;
	[sflag:s4] =	ssyncset.s32 $0xFFFFF086  }
0x25: {  	[simem:s6], [sflag:s4] =	dma.local [hbm:s3], $0xF7A  }
0x26: {  	[smem:$0x3F9C] =	sst s1;
	(tag) =	ssettag s2;
	_ =	strace s9  }
0x27: {  	s1 =	sld [smem:$0x3FAC]  }
0x28: {  	s2 =	sld [smem:$0x3FAD]  }
0x29: {  	s4 =	sld [smem:$0x3FAF]  }
0x2a: {  	p0 =	seq.s32 s5, $0x0;
	s5 =	sld [smem:$0x3FB0]  }
0x2b: {  	s6 =	sld [smem:$0x3FB1]  }
0x2c: {  	s7 =	sld [smem:$0x3FB2]  }
0x2d: {  	s3 =	simm.s32 $0x108;
	s8 =	sld [smem:$0x3FB3]  }
0x2e: {  	s3 =	simm.s32 @!p0 $0x1082;
	s9 =	sld [smem:$0x3FB4]  }
0x2f: {  	lr =	sadd.s32 s0, s3;
	s0 =	sld [smem:$0x3FAB]  }
0x30: {  	s3 =	sld [smem:$0x3FAE]  }
0x31: {  	[smem:$0x3FB7] =	sst s10  }
0x32: {  	s10 =	sld [smem:$0x3FB5];
	_ =	sdelay $0x3  }
0x33: {  	p0 =	seq.s32 s10, $0x1;
	s10 =	sld [smem:$0x3FB7];
	_ =	sdelay $0x3  }
0x34: {  	[smem:$0x3FB7] =	sst s10  }
0x35: {  	s10 =	sld [smem:$0x3FB6];
	_ =	sdelay $0x3  }
0x36: {  	p1 =	seq.s32 s10, $0x1;
	s10 =	sld [smem:$0x3FB7];
	_ =	sdelay $0x3  }
0x37: {  	[smem:$0x3FB7] =	sst s10  }
0x38: {  	s10 =	sld [smem:$0x3FB8]  }
0x39: {  	_ = 	snop;
	(pc) =	sbr.ind lr, $3  }
0x3a: {  	_ = 	snop  }
0x3b: {  	_ = 	snop  }
0x3c: {  	p2 =	seq.s32 s10, $0x1;
	s10 =	sld [smem:$0x3FB7]  }
0x3d: {  	_ =	shalt  }
0x3e: {  	_ =	shalt  }
0x3f: {  	_ =	shalt  }
0x40: {  	_ =	shalt  }
0x41: {  	_ =	shalt  }
0x42: {  	_ =	shalt  }
0x43: {  	_ =	shalt  }
0x44: {  	_ =	shalt  }
0x45: {  	_ =	shalt  }
0x46: {  	_ =	shalt  }
0x47: {  	_ =	shalt  }
0x48: {  	_ =	shalt  }
0x49: {  	_ =	shalt  }
0x4a: {  	_ =	shalt  }
0x4b: {  	_ =	shalt  }
0x4c: {  	_ =	shalt  }
0x4d: {  	_ =	shalt  }
0x4e: {  	_ =	shalt  }
0x4f: {  	_ =	shalt  }
0x50: {  	_ =	shalt  }
0x51: {  	_ =	shalt  }
0x52: {  	_ =	shalt  }
0x53: {  	_ =	shalt  }
0x54: {  	_ =	shalt  }
0x55: {  	_ =	shalt  }
0x56: {  	_ =	shalt  }
0x57: {  	_ =	shalt  }
0x58: {  	_ =	shalt  }
0x59: {  	_ =	shalt  }
0x5a: {  	_ =	shalt  }
0x5b: {  	_ =	shalt  }
0x5c: {  	_ =	shalt  }
0x5d: {  	_ =	shalt  }
0x5e: {  	_ =	shalt  }
0x5f: {  	_ =	shalt  }
0x60: {  	_ =	shalt  }
0x61: {  	_ =	shalt  }
0x62: {  	_ =	shalt  }
0x63: {  	_ =	shalt  }
0x64: {  	_ =	shalt  }
0x65: {  	_ =	shalt  }
0x66: {  	_ =	shalt  }
0x67: {  	_ =	shalt  }
0x68: {  	_ =	shalt  }
0x69: {  	_ =	shalt  }
0x6a: {  	_ =	shalt  }
0x6b: {  	_ =	shalt  }
0x6c: {  	_ =	shalt  }
0x6d: {  	_ =	shalt  }
0x6e: {  	_ =	shalt  }
0x6f: {  	_ =	shalt  }
0x70: {  	_ =	shalt  }
0x71: {  	_ =	shalt  }
0x72: {  	_ =	shalt  }
0x73: {  	_ =	shalt  }
0x74: {  	_ =	shalt  }
0x75: {  	_ =	shalt  }
0x76: {  	_ =	shalt  }
0x77: {  	_ =	shalt  }
0x78: {  	_ =	shalt  }
0x79: {  	_ =	shalt  }
0x7a: {  	_ =	shalt  }
0x7b: {  	_ =	shalt  }
0x7c: {  	_ =	shalt  }
0x7d: {  	_ =	shalt  }
0x7e: {  	_ =	shalt  }
0x7f: {  	_ =	shalt  }
0x80: {  	_ =	shalt  }
0x81: {  	_ =	shalt  }
0x82: {  	_ =	shalt  }
0x83: {  	_ =	shalt  }
0x84: {  	_ =	shalt  }
0x85: {  	_ =	shalt  }
0x86: {  	_ =	shalt  }
0x87: {  	_ =	shalt  }
.Lfunc_end0:
.L_simem_size_0:
called_computation_lowered:
.L_overlay_start_0:
0x88: {  	s2 =	sld [smem:$0x3FD9]  }
0x89: {  	s3 =	sld [smem:$0x3FFE];
	_ =	sdelay $0x1  }
0x8a: {  	s1 =	srdreg.scid  }
0x8b: {  	s0 =	sand.u32 $0x1, s1  }
0x8c: {  	s17 =	sshll.u32 s0, $0xA;
	s2 =	sadd.s32 s3, s2  }
0x8d: {  	s2 =	sadd.s32 s2, s17  }
0x8e: {  	[smem:$0x3FC3] =	sst s2  }
0x8f: {  	_ = 	snop  }
0x90: {  	s2 =	sld [smem:$0x3FC9]  }
0x91: {  	s18 =	sld [smem:$0x3FC8]  }
0x92: {  	s4 =	sld [smem:$0x3FD0];
	(tm) =	ssettm $0x1  }
0x93: {  	s5 =	sld [smem:$0x3FFB];
	_ =	sdelay $0x3  }
0x94: {  	_ =	strace s5  }
0x95: {  	s5 =	sld [smem:$0x3FFC];
	_ =	sdelay $0x3  }
0x96: {  	_ =	strace s5  }
0x97: {  	s5 =	sld [smem:$0x3FFD];
	_ =	sdelay $0x3  }
0x98: {  	_ =	strace s5  }
0x99: {  	_ =	strace $0x8FFFFFFF  }
0x9a: {  	s19 =	sld [smem:$0x3FDB];
	_ =	sdelay $0x1  }
0x9b: {  	s6 =	simm.s32 $_scs_section_size  }
0x9c: {  	s7 =	simm.s32 $_size__tile_overlayer_lowered;
	s8 =	simm.s32 $_tile_overlayer_lowered  }
0x9d: {  	s22 =	simm.s32 $0x1BFF;
	s21 =	sshll.u32 s8, $0x1;
	s5 =	sadd.s32 s6, s19  }
0x9e: {  	s9 =	simm.s32 $0x0;
	s20 =	sshll.u32 s7, $0x1;
	s7 =	sadd.s32 s21, s5  }
0x9f: {  	[timem:s9], [sflag:s22] =	dma.local [hbm:s7], s20  }
0xa0: {  	_ =	swait.ge [sflag:s22], s20  }
0xa1: {  	s6 =	ssub.s32 $0x0, s20;
	[sflag:s22] =	ssyncset.done $0x0  }
0xa2: {  	[sflag:s22] =	ssyncadd.s32 s6;
	_ =	sdelay $0x1  }
0xa3: {  	s23 =	simm.s32 $0x1B8B  }
0xa4: {  	_ =	swait.ge [sflag:s23], $0x1  }
0xa5: {  	[sflag:s23] =	ssyncset.done $0x0  }
0xa6: {  	s25 =	simm.s32 $0x1B8E;
	s24 =	sld [smem:$0x3FFE];
	[sflag:s23] =	ssyncadd.s32 $0xFFFFFFFF  }
0xa7: {  	s26 =	simm.s32 $execute0_lowered;
	[smem:$0x3FD2] =	sst s25  }
0xa8: {  	s7 =	sshll.u32 s26, $0x1;
	_ =	strace $0x80000046;
	[dreg:$0x1] =	wrdreg $0xFFFFFFFF  }
0xa9: {  	s28 =	simm.s32 $_size_execute0_lowered;
	s5 =	sadd.s32 s5, s7;
	[dreg:$0x0] =	wrdreg $0x0  }
0xaa: {  	s7 =	sshll.u32 s28, $0x1;
	[dreg:$0x2] =	wrdreg s5  }
0xab: {  	[dreg:$0x3] =	wrdreg s7  }
0xac: {  	[dreg:$0x4] =	wrdreg $0xC0  }
0xad: {  	_ =	task [dreg:s9], $0x5FFFF  }
0xae: {  	[dreg:$0x1] =	wrdreg $0xFFFFFFFF  }
0xaf: {  	[dreg:$0x0] =	wrdreg $0x60  }
0xb0: {  	[dreg:$0x2] =	wrdreg s2  }
0xb1: {  	[dreg:$0x3] =	wrdreg s18  }
0xb2: {  	[dreg:$0x4] =	wrdreg s24  }
0xb3: {  	[dreg:$0x5] =	wrdreg s4  }
0xb4: {  	[dreg:$0x6] =	wrdreg $0x9  }
0xb5: {  	_ =	task.clear_ibuf [dreg:s9], $0x7FFFF;
	_ =	strace $0x90000046  }
0xb6: {  	s29 =	simm.s32 $0x9;
	_ =	strace $0x80000048  }
0xb7: {  	_ =	swait.ge [sflag:s29], $0x1  }
0xb8: {  	[sflag:s29] =	ssyncadd.s32 $0xFFFFFFFF  }
0xb9: {  	_ =	strace $0x90000048  }
0xba: {  	_ =	sfence  }
0xbb: {  	s30 =	sld [smem:$0x0];
	_ =	sdelay $0x2  }
0xbc: {  	s31 =	sshll.u32 s1, $0xD;
	s1 =	sshrl.u32 s1, $0x2  }
0xbd: {  	s3 =	sand.u32 $0x4000, s31;
	s1 =	sadd.s32 s1, s30  }
0xbe: {  	s0 =	sor.u32 s3, s0;
	s1 =	sshll.u32 s1, $0x11  }
0xbf: {  	s0 =	sor.u32 s1, s0  }
0xc0: {  	s0 =	sadd.s32 $0x8F2B, s0  }
0xc1: {  	[sflag:s0] =	ssyncadd.remote.s32 $0x1  }
0xc2: {  	_ =	sfence.sel $0xFFFF  }
0xc3: {  	[dreg:$0x0] =	wrdreg $0xFFFFFFFF;
	(pc) =	sbr.abs _section_cstart, $3  }
0xc4: {  	[dreg:$0x1] =	wrdreg $0xFFFFFFFF  }
0xc5: {  	_ =	task.clear_ibuf [dreg:s9], $0x2FFFF;
	_ =	strace $0x9FFFFFFF  }
0xc6: {  	(tm) =	ssettm $0x7FFFFFFF  }
0xc7: {  	_ =	shalt  }
tec
execute0_lowered:
.L_overlay_start_1:
0x0: {  	(tag) =	ssettag $0x1  }
0x1: {  	s6 =	rddreg [dreg:$0x0]  }
0x2: {  	s7 =	rddreg [dreg:$0x1]  }
0x3: {  	s5 =	rddreg [dreg:$0x2]  }
0x4: {  	s8 =	rddreg [dreg:$0x3]  }
0x5: {  	s0 =	rddreg [dreg:$0x4];
	s1 =	simm.s32 $0x0;
	s9 =	srdreg.scid  }
0x6: {  	s2 =	stileid.u32;
	s13 =	simm.s32 $0x2400;
	s14 =	simm.s32 $0x1  }
0x7: {  	s15 =	simm.s32 $0x4600;
	s16 =	simm.s32 $0x0;
	[smem:$0x7FF] =	sst s1  }
0x8: {  	s3 =	sadd.s32 $0xF42800, s5;
	s4 =	sadd.s32 $0x186E00, s5;
	s9 =	sand.u32 $0x1, s9  }
0x9: {  	s11 =	sshll.u32 s2, $0x7;
	s5 =	sadd.s32 $0x400, s5;
	s10 =	ssub.s32 $0x2, s9  }
0xa: {  	_ =	strace $0x80000047;
	s9 =	sshll.u32 s9, $0x6;
	s12 =	sshrl.u32 s10, $0x1  }
0xb: {  	s9 =	sor.u32 s9, s11;
	s11 =	simm.s32 $0x200;
	s10 =	ssub.s32 s10, s12  }
0xc: {  	v0 =	vlaneseq.u32;
	s6 =	sadd.s32 s6, s9;
	s7 =	sadd.s32 s7, s9;
	s8 =	sadd.s32 s8, s9  }
0xd: {  	v0 =	vmul.u32 $0x10, v0;
	s12 =	simm.s32 $0x400;
	s9 =	smax.u32 s10, $0x1;
	s10 =	simm.s32 $0x2  }
.LBB2_1:
0xe: {  	[tilespmem:s1], [sflag:$0x2] =	stream.linear.gather [hbm4b:s6+s1], $0x200, $0x38;
	[tilespmem:$0x4800] =	vst v63  }
0xf: {  	_ =	swait.ge [sflag:s10], $0x200  }
0x10: {  	[sflag:s10] =	ssyncset.done $0x0  }
0x11: {  	[sflag:s10] =	ssyncadd.s32 $0xFFFFFE00  }
0x12: {  	[tilespmem:s11], [sflag:$0x2] =	stream.linear.gather [hbm4b:s7+s1], $0x200, $0x38;
	[tilespmem:$0x4800] =	vst v63  }
0x13: {  	_ =	swait.ge [sflag:s10], $0x200  }
0x14: {  	[sflag:s10] =	ssyncset.done $0x0  }
0x15: {  	[sflag:s10] =	ssyncadd.s32 $0xFFFFFE00  }
0x16: {  	[tilespmem:s12], [sflag:$0x1] =	stream.indirect.gather [hbm4b:s3+s11], $0x10, s1, s11, $0xb8;
	[tilespmem:$0x4800] =	vst v63  }
0x17: {  	_ = 	snop  }
0x18: {  	[tilespmem:s13], [sflag:$0x1] =	stream.indirect.gather [hbm4b:s4+s11], $0x10, s11, s11, $0xb8;
	[tilespmem:$0x4800] =	vst v63  }
0x19: {  	s17 =	simm.s32 $0x4400  }
0x1a: {  	[tilespmem:s17], [sflag:$0x1] =	stream.indirect.gather [hbm4b:s5+s11], $0x1, s11, s11, $0xb8;
	[tilespmem:$0x4800] =	vst v63  }
0x1b: {  	_ =	swait.ge [sflag:s14], $0x2000  }
0x1c: {  	[sflag:s14] =	ssyncset.done $0x0  }
0x1d: {  	v1 =	vmov s1;
	[sflag:s14] =	ssyncadd.s32 $0xFFFFE000  }
0x1e: {  	v1 =	vshll.u32 v1, $0x4;
	_ =	swait.ge [sflag:s14], $0x2000  }
0x1f: {  	v1 =	vor.u32 v0, v1;
	[sflag:s14] =	ssyncset.done $0x0  }
0x20: {  	[sflag:s14] =	ssyncadd.s32 $0xFFFFE000  }
0x21: {  	v2 =	vor.u32 $0x1, v1;
	_ =	swait.ge [sflag:s14], $0x200  }
0x22: {  	[sflag:s14] =	ssyncset.done $0x0  }
0x23: {  	[sflag:s14] =	ssyncadd.s32 $0xFFFFFE00  }
0x24: {  	v3 =	vor.u32 $0x2, v1;
	v4 =	vld.idx.msk [tilespmem:v1+s12+$0x0], $0xffff  }
0x25: {  	v5 =	vld.idx.msk [tilespmem:v1+s13+$0x0], $0xffff  }
0x26: {  	v6 =	vor.u32 $0x3, v1;
	v7 =	vld.idx.msk [tilespmem:v2+s12+$0x0], $0xffff  }
0x27: {  	v2 =	vld.idx.msk [tilespmem:v2+s13+$0x0], $0xffff  }
0x28: {  	v8 =	vor.u32 $0x4, v1;
	v9 =	vld [tilespmem:s17+$0x0]  }
0x29: {  	v10 =	vld.idx.msk [tilespmem:v3+s12+$0x0], $0xffff  }
0x2a: {  	v11 =	vor.u32 $0x5, v1;
	v3 =	vld.idx.msk [tilespmem:v3+s13+$0x0], $0xffff  }
0x2b: {  	v12 =	vld.idx.msk [tilespmem:v6+s12+$0x0], $0xffff;
	v4 =	vmul.f32 v5, v4  }
0x2c: {  	v39 =	vor.u32 $0x6, v1;
	v38 =	vld.idx.msk [tilespmem:v6+s13+$0x0], $0xffff  }
0x2d: {  	v13 =	vld.idx.msk [tilespmem:v8+s12+$0x0], $0xffff;
	v2 =	vmul.f32 v2, v7;
	v4 =	vadd.f32 v4, v9  }
0x2e: {  	v41 =	vor.u32 $0x7, v1;
	v40 =	vld.idx.msk [tilespmem:v8+s13+$0x0], $0xffff  }
0x2f: {  	v42 =	vld.idx.msk [tilespmem:v11+s12+$0x0], $0xffff;
	v3 =	vmul.f32 v3, v10;
	v2 =	vadd.f32 v2, v4  }
0x30: {  	v44 =	vor.u32 $0x8, v1;
	v43 =	vld.idx.msk [tilespmem:v11+s13+$0x0], $0xffff  }
0x31: {  	v45 =	vld.idx.msk [tilespmem:v39+s12+$0x0], $0xffff;
	v2 =	vadd.f32 v3, v2;
	v3 =	vmul.f32 v38, v12  }
0x32: {  	v47 =	vor.u32 $0x9, v1;
	v46 =	vld.idx.msk [tilespmem:v39+s13+$0x0], $0xffff  }
0x33: {  	v48 =	vld.idx.msk [tilespmem:v41+s12+$0x0], $0xffff;
	v2 =	vadd.f32 v3, v2;
	v3 =	vmul.f32 v40, v13  }
0x34: {  	v50 =	vor.u32 $0xA, v1;
	v49 =	vld.idx.msk [tilespmem:v41+s13+$0x0], $0xffff  }
0x35: {  	v51 =	vld.idx.msk [tilespmem:v44+s12+$0x0], $0xffff;
	v2 =	vadd.f32 v3, v2;
	v3 =	vmul.f32 v43, v42  }
0x36: {  	v53 =	vor.u32 $0xB, v1;
	v52 =	vld.idx.msk [tilespmem:v44+s13+$0x0], $0xffff  }
0x37: {  	v54 =	vld.idx.msk [tilespmem:v47+s12+$0x0], $0xffff;
	v2 =	vadd.f32 v3, v2;
	v3 =	vmul.f32 v46, v45  }
0x38: {  	v56 =	vor.u32 $0xC, v1;
	v55 =	vld.idx.msk [tilespmem:v47+s13+$0x0], $0xffff  }
0x39: {  	v57 =	vld.idx.msk [tilespmem:v50+s12+$0x0], $0xffff;
	v2 =	vadd.f32 v3, v2;
	v3 =	vmul.f32 v49, v48  }
0x3a: {  	v59 =	vor.u32 $0xD, v1;
	v58 =	vld.idx.msk [tilespmem:v50+s13+$0x0], $0xffff  }
0x3b: {  	v60 =	vld.idx.msk [tilespmem:v53+s12+$0x0], $0xffff;
	v2 =	vadd.f32 v3, v2;
	v3 =	vmul.f32 v52, v51  }
0x3c: {  	v62 =	vor.u32 $0xE, v1;
	v61 =	vld.idx.msk [tilespmem:v53+s13+$0x0], $0xffff  }
0x3d: {  	v63 =	vld.idx.msk [tilespmem:v56+s12+$0x0], $0xffff;
	v2 =	vadd.f32 v3, v2;
	v3 =	vmul.f32 v55, v54  }
0x3e: {  	v16 =	vld.idx.msk [tilespmem:v56+s13+$0x0], $0xffff;
	v1 =	vor.u32 $0xF, v1  }
0x3f: {  	v17 =	vld.idx.msk [tilespmem:v59+s12+$0x0], $0xffff;
	v2 =	vadd.f32 v3, v2;
	v3 =	vmul.f32 v58, v57  }
0x40: {  	v18 =	vld.idx.msk [tilespmem:v59+s13+$0x0], $0xffff  }
0x41: {  	v19 =	vld.idx.msk [tilespmem:v62+s12+$0x0], $0xffff;
	v2 =	vadd.f32 v3, v2;
	v3 =	vmul.f32 v61, v60  }
0x42: {  	v20 =	vld.idx.msk [tilespmem:v62+s13+$0x0], $0xffff  }
0x43: {  	v21 =	vld.idx.msk [tilespmem:v1+s12+$0x0], $0xffff;
	v2 =	vadd.f32 v3, v2;
	v3 =	vmul.f32 v16, v63  }
0x44: {  	v1 =	vld.idx.msk [tilespmem:v1+s13+$0x0], $0xffff  }
0x45: {  	v2 =	vadd.f32 v3, v2;
	v3 =	vmul.f32 v18, v17;
	_ =	sdelay $0x1  }
0x46: {  	v2 =	vadd.f32 v3, v2;
	v3 =	vmul.f32 v20, v19;
	_ =	sdelay $0x1  }
0x47: {  	v1 =	vmul.f32 v1, v21;
	v2 =	vadd.f32 v3, v2;
	_ =	sdelay $0x1  }
0x48: {  	v1 =	vadd.f32 v1, v2;
	_ =	sdelay $0x1  }
0x49: {  	v1 =	vsub.f32 $0.0e+00, v1;
	_ =	sdelay $0x1  }
0x4a: {  	v1 =	vmul.f32 $1.442695020e+00, v1;
	_ =	sdelay $0x1  }
0x4b: {  	(erf) = vpow2.f32 v1;
	_ =	sdelay $0x8  }
0x4c: {  	v1 =	vpop (erf)  }
0x4d: {  	v1 =	vadd.f32 $1.000000000e+00, v1;
	_ =	sdelay $0x1  }
0x4e: {  	(erf) = vrcp.f32 v1;
	_ =	sdelay $0x2  }
0x4f: {  	s31 =	simm.s32 $0x10  }
0x50: {  	v1 =	vmov s31  }
0x51: {  	v1 =	vshll.u32 v1, $0x4  }
0x52: {  	v1 =	vor.u32 v0, v1;
	_ =	sdelay $0x1  }
0x53: {  	v2 =	vor.u32 $0x1, v1  }
0x54: {  	v3 =	vpop (erf)  }
0x55: {  	[tilespmem:s15+$0x0] =	vst v3  }
0x56: {  	v3 =	vor.u32 $0x2, v1;
	v22 =	vld.idx.msk [tilespmem:v1+s12+$0x0], $0xffff  }
0x57: {  	v23 =	vld.idx.msk [tilespmem:v1+s13+$0x0], $0xffff  }
0x58: {  	v24 =	vor.u32 $0x3, v1;
	v25 =	vld.idx.msk [tilespmem:v2+s12+$0x0], $0xffff  }
0x59: {  	s17 =	simm.s32 $0x4410;
	v2 =	vld.idx.msk [tilespmem:v2+s13+$0x0], $0xffff  }
0x5a: {  	v26 =	vor.u32 $0x4, v1;
	v27 =	vld [tilespmem:s17+$0x0]  }
0x5b: {  	v28 =	vld.idx.msk [tilespmem:v3+s12+$0x0], $0xffff  }
0x5c: {  	v29 =	vor.u32 $0x5, v1;
	v3 =	vld.idx.msk [tilespmem:v3+s13+$0x0], $0xffff  }
0x5d: {  	v30 =	vld.idx.msk [tilespmem:v24+s12+$0x0], $0xffff;
	v4 =	vmul.f32 v23, v22  }
0x5e: {  	v32 =	vor.u32 $0x6, v1;
	v31 =	vld.idx.msk [tilespmem:v24+s13+$0x0], $0xffff  }
0x5f: {  	v33 =	vld.idx.msk [tilespmem:v26+s12+$0x0], $0xffff;
	v2 =	vmul.f32 v2, v25;
	v4 =	vadd.f32 v4, v27  }
0x60: {  	v35 =	vor.u32 $0x7, v1;
	v34 =	vld.idx.msk [tilespmem:v26+s13+$0x0], $0xffff  }
0x61: {  	v36 =	vld.idx.msk [tilespmem:v29+s12+$0x0], $0xffff;
	v2 =	vadd.f32 v2, v4;
	v3 =	vmul.f32 v3, v28  }
0x62: {  	v38 =	vor.u32 $0x8, v1;
	v37 =	vld.idx.msk [tilespmem:v29+s13+$0x0], $0xffff  }
0x63: {  	v39 =	vld.idx.msk [tilespmem:v32+s12+$0x0], $0xffff;
	v2 =	vadd.f32 v3, v2;
	v3 =	vmul.f32 v31, v30  }
0x64: {  	v41 =	vor.u32 $0x9, v1;
	v40 =	vld.idx.msk [tilespmem:v32+s13+$0x0], $0xffff  }
0x65: {  	v42 =	vld.idx.msk [tilespmem:v35+s12+$0x0], $0xffff;
	v2 =	vadd.f32 v3, v2;
	v3 =	vmul.f32 v34, v33  }
0x66: {  	v44 =	vor.u32 $0xA, v1;
	v43 =	vld.idx.msk [tilespmem:v35+s13+$0x0], $0xffff  }
0x67: {  	v45 =	vld.idx.msk [tilespmem:v38+s12+$0x0], $0xffff;
	v2 =	vadd.f32 v3, v2;
	v3 =	vmul.f32 v37, v36  }
0x68: {  	v47 =	vor.u32 $0xB, v1;
	v46 =	vld.idx.msk [tilespmem:v38+s13+$0x0], $0xffff  }
0x69: {  	v48 =	vld.idx.msk [tilespmem:v41+s12+$0x0], $0xffff;
	v2 =	vadd.f32 v3, v2;
	v3 =	vmul.f32 v40, v39  }
0x6a: {  	v50 =	vor.u32 $0xC, v1;
	v49 =	vld.idx.msk [tilespmem:v41+s13+$0x0], $0xffff  }
0x6b: {  	v51 =	vld.idx.msk [tilespmem:v44+s12+$0x0], $0xffff;
	v2 =	vadd.f32 v3, v2;
	v3 =	vmul.f32 v43, v42  }
0x6c: {  	v53 =	vor.u32 $0xD, v1;
	v52 =	vld.idx.msk [tilespmem:v44+s13+$0x0], $0xffff  }
0x6d: {  	v54 =	vld.idx.msk [tilespmem:v47+s12+$0x0], $0xffff;
	v2 =	vadd.f32 v3, v2;
	v3 =	vmul.f32 v46, v45  }
0x6e: {  	v56 =	vor.u32 $0xE, v1;
	v55 =	vld.idx.msk [tilespmem:v47+s13+$0x0], $0xffff  }
0x6f: {  	v57 =	vld.idx.msk [tilespmem:v50+s12+$0x0], $0xffff;
	v2 =	vadd.f32 v3, v2;
	v3 =	vmul.f32 v49, v48  }
0x70: {  	v58 =	vld.idx.msk [tilespmem:v50+s13+$0x0], $0xffff;
	v1 =	vor.u32 $0xF, v1  }
0x71: {  	v59 =	vld.idx.msk [tilespmem:v53+s12+$0x0], $0xffff;
	v2 =	vadd.f32 v3, v2;
	v3 =	vmul.f32 v52, v51  }
0x72: {  	v60 =	vld.idx.msk [tilespmem:v53+s13+$0x0], $0xffff  }
0x73: {  	v61 =	vld.idx.msk [tilespmem:v56+s12+$0x0], $0xffff;
	v2 =	vadd.f32 v3, v2;
	v3 =	vmul.f32 v55, v54  }
0x74: {  	v62 =	vld.idx.msk [tilespmem:v56+s13+$0x0], $0xffff  }
0x75: {  	v63 =	vld.idx.msk [tilespmem:v1+s12+$0x0], $0xffff;
	v2 =	vadd.f32 v3, v2;
	v3 =	vmul.f32 v58, v57  }
0x76: {  	v1 =	vld.idx.msk [tilespmem:v1+s13+$0x0], $0xffff  }
0x77: {  	v2 =	vadd.f32 v3, v2;
	v3 =	vmul.f32 v60, v59;
	_ =	sdelay $0x1  }
0x78: {  	v2 =	vadd.f32 v3, v2;
	v3 =	vmul.f32 v62, v61;
	_ =	sdelay $0x1  }
0x79: {  	v1 =	vmul.f32 v1, v63;
	v2 =	vadd.f32 v3, v2;
	_ =	sdelay $0x1  }
0x7a: {  	v1 =	vadd.f32 v1, v2;
	_ =	sdelay $0x1  }
0x7b: {  	v1 =	vsub.f32 $0.0e+00, v1;
	_ =	sdelay $0x1  }
0x7c: {  	v1 =	vmul.f32 $1.442695020e+00, v1;
	_ =	sdelay $0x1  }
0x7d: {  	(erf) = vpow2.f32 v1;
	_ =	sdelay $0x8  }
0x7e: {  	v1 =	vpop (erf)  }
0x7f: {  	v3 =	vadd.f32 $1.000000000e+00, v1;
	_ =	sdelay $0x1  }
0x80: {  	(erf) = vrcp.f32 v3;
	_ =	sdelay $0x1  }
0x81: {  	s18 =	simm.s32 $0x20  }
0x82: {  	v2 =	vmov s18  }
0x83: {  	v1 =	vshll.u32 v2, $0x4  }
0x84: {  	v1 =	vor.u32 v0, v1  }
0x85: {  	s19 =	simm.s32 $0x30;
	s18 =	simm.s32 $0x4600;
	v2 =	vor.u32 $0x2, v1  }
.LBB2_2:
0x86: {  	p0 =	sne.s32 s19, $0x1F0;
	_ =	sdelay $0x1  }
0x87: {  	v3 =	vor.u32 $0x1, v1;
	s18 =	sadd.s32 $0x10, s18;
	v4 =	vpop (erf)  }
0x88: {  	[tilespmem:s18+$0x0] =	vst v4  }
0x89: {  	v4 =	vld.idx.msk [tilespmem:v2+s12+$0x0], $0xffff  }
0x8a: {  	v5 =	vld.idx.msk [tilespmem:v1+s12+$0x0], $0xffff  }
0x8b: {  	v7 =	vor.u32 $0x3, v1;
	v6 =	vld.idx.msk [tilespmem:v1+s13+$0x0], $0xffff  }
0x8c: {  	v8 =	vld.idx.msk [tilespmem:v3+s12+$0x0], $0xffff  }
0x8d: {  	v9 =	vor.u32 $0x4, v1;
	s17 =	sadd.s32 $0x10, s17;
	v3 =	vld.idx.msk [tilespmem:v3+s13+$0x0], $0xffff  }
0x8e: {  	v10 =	vld [tilespmem:s17+$0x0]  }
0x8f: {  	v11 =	vor.u32 $0x5, v1;
	v2 =	vld.idx.msk [tilespmem:v2+s13+$0x0], $0xffff  }
0x90: {  	v12 =	vld.idx.msk [tilespmem:v7+s12+$0x0], $0xffff  }
0x91: {  	v5 =	vmul.f32 v6, v5;
	v6 =	vld.idx.msk [tilespmem:v7+s13+$0x0], $0xffff;
	v7 =	vor.u32 $0x6, v1  }
0x92: {  	v13 =	vld.idx.msk [tilespmem:v9+s12+$0x0], $0xffff  }
0x93: {  	v3 =	vmul.f32 v3, v8;
	v5 =	vadd.f32 v5, v10;
	v8 =	vld.idx.msk [tilespmem:v9+s13+$0x0], $0xffff;
	v9 =	vor.u32 $0x7, v1  }
0x94: {  	v10 =	vld.idx.msk [tilespmem:v11+s12+$0x0], $0xffff  }
0x95: {  	v2 =	vmul.f32 v2, v4;
	v3 =	vadd.f32 v3, v5;
	v4 =	vld.idx.msk [tilespmem:v11+s13+$0x0], $0xffff;
	v5 =	vor.u32 $0x8, v1  }
0x96: {  	v11 =	vld.idx.msk [tilespmem:v7+s12+$0x0], $0xffff  }
0x97: {  	v2 =	vadd.f32 v2, v3;
	v3 =	vmul.f32 v6, v12;
	v6 =	vld.idx.msk [tilespmem:v7+s13+$0x0], $0xffff;
	v7 =	vor.u32 $0x9, v1  }
0x98: {  	v12 =	vld.idx.msk [tilespmem:v9+s12+$0x0], $0xffff  }
0x99: {  	v2 =	vadd.f32 v3, v2;
	v3 =	vmul.f32 v8, v13;
	v8 =	vld.idx.msk [tilespmem:v9+s13+$0x0], $0xffff;
	v9 =	vor.u32 $0xA, v1  }
0x9a: {  	v13 =	vld.idx.msk [tilespmem:v5+s12+$0x0], $0xffff  }
0x9b: {  	v2 =	vadd.f32 v3, v2;
	v3 =	vmul.f32 v4, v10;
	v4 =	vld.idx.msk [tilespmem:v5+s13+$0x0], $0xffff;
	v5 =	vor.u32 $0xB, v1  }
0x9c: {  	v10 =	vld.idx.msk [tilespmem:v7+s12+$0x0], $0xffff  }
0x9d: {  	v2 =	vadd.f32 v3, v2;
	v3 =	vmul.f32 v6, v11;
	v6 =	vld.idx.msk [tilespmem:v7+s13+$0x0], $0xffff;
	v7 =	vor.u32 $0xC, v1  }
0x9e: {  	v11 =	vld.idx.msk [tilespmem:v9+s12+$0x0], $0xffff  }
0x9f: {  	v2 =	vadd.f32 v3, v2;
	v3 =	vmul.f32 v8, v12;
	v8 =	vld.idx.msk [tilespmem:v9+s13+$0x0], $0xffff;
	v9 =	vor.u32 $0xD, v1  }
0xa0: {  	v12 =	vld.idx.msk [tilespmem:v5+s12+$0x0], $0xffff  }
0xa1: {  	v2 =	vadd.f32 v3, v2;
	v3 =	vmul.f32 v4, v13;
	v4 =	vld.idx.msk [tilespmem:v5+s13+$0x0], $0xffff;
	v5 =	vor.u32 $0xE, v1  }
0xa2: {  	v13 =	vld.idx.msk [tilespmem:v7+s12+$0x0], $0xffff  }
0xa3: {  	v1 =	vor.u32 $0xF, v1;
	v2 =	vadd.f32 v3, v2;
	v3 =	vmul.f32 v6, v10;
	v6 =	vld.idx.msk [tilespmem:v7+s13+$0x0], $0xffff  }
0xa4: {  	v7 =	vld.idx.msk [tilespmem:v9+s12+$0x0], $0xffff  }
0xa5: {  	v2 =	vadd.f32 v3, v2;
	v3 =	vmul.f32 v8, v11;
	v8 =	vld.idx.msk [tilespmem:v9+s13+$0x0], $0xffff  }
0xa6: {  	v9 =	vld.idx.msk [tilespmem:v5+s12+$0x0], $0xffff  }
0xa7: {  	v2 =	vadd.f32 v3, v2;
	v3 =	vmul.f32 v4, v12;
	v4 =	vld.idx.msk [tilespmem:v5+s13+$0x0], $0xffff  }
0xa8: {  	v5 =	vld.idx.msk [tilespmem:v1+s12+$0x0], $0xffff  }
0xa9: {  	v2 =	vadd.f32 v3, v2;
	v3 =	vmul.f32 v6, v13;
	v1 =	vld.idx.msk [tilespmem:v1+s13+$0x0], $0xffff;
	_ =	sdelay $0x1  }
0xaa: {  	v2 =	vadd.f32 v3, v2;
	v3 =	vmul.f32 v8, v7;
	_ =	sdelay $0x1  }
0xab: {  	v2 =	vadd.f32 v3, v2;
	v3 =	vmul.f32 v4, v9;
	_ =	sdelay $0x1  }
0xac: {  	v1 =	vmul.f32 v1, v5;
	v2 =	vadd.f32 v3, v2;
	_ =	sdelay $0x1  }
0xad: {  	v1 =	vadd.f32 v1, v2;
	_ =	sdelay $0x1  }
0xae: {  	v1 =	vsub.f32 $0.0e+00, v1;
	_ =	sdelay $0x1  }
0xaf: {  	v1 =	vmul.f32 $1.442695020e+00, v1;
	_ =	sdelay $0x1  }
0xb0: {  	(erf) = vpow2.f32 v1;
	_ =	sdelay $0x8  }
0xb1: {  	v1 =	vpop (erf)  }
0xb2: {  	v1 =	vadd.f32 $1.000000000e+00, v1;
	_ =	sdelay $0x1  }
0xb3: {  	(erf) = vrcp.f32 v1;
	_ =	sdelay $0x1  }
.Ltmp0:
0xb4: {  	(pc) =	sbr.rel @p0 .LBB2_2-.Ltmp0, $4  }
0xb5: {  	v1 =	vmov s19  }
0xb6: {  	v1 =	vshll.u32 v1, $0x4  }
0xb7: {  	v1 =	vor.u32 v0, v1  }
0xb8: {  	s19 =	sadd.s32 $0x10, s19;
	v2 =	vor.u32 $0x2, v1  }
0xb9: {  	_ =	sdelay $0x1  }
0xba: {  	v3 =	vor.u32 $0x1, v1;
	s18 =	sadd.s32 $0x10, s18;
	v4 =	vpop (erf)  }
0xbb: {  	[tilespmem:s18+$0x0] =	vst v4  }
0xbc: {  	v4 =	vld.idx.msk [tilespmem:v1+s12+$0x0], $0xffff  }
0xbd: {  	s17 =	sadd.s32 $0x10, s17;
	v5 =	vld.idx.msk [tilespmem:v1+s13+$0x0], $0xffff  }
0xbe: {  	v6 =	vor.u32 $0x3, v1;
	v9 =	vld [tilespmem:s17+$0x0]  }
0xbf: {  	v7 =	vld.idx.msk [tilespmem:v3+s12+$0x0], $0xffff  }
0xc0: {  	v8 =	vor.u32 $0x4, v1;
	v3 =	vld.idx.msk [tilespmem:v3+s13+$0x0], $0xffff  }
0xc1: {  	v10 =	vld.idx.msk [tilespmem:v2+s12+$0x0], $0xffff  }
0xc2: {  	v11 =	vor.u32 $0x5, v1;
	v2 =	vld.idx.msk [tilespmem:v2+s13+$0x0], $0xffff  }
0xc3: {  	v12 =	vld.idx.msk [tilespmem:v6+s12+$0x0], $0xffff;
	v4 =	vmul.f32 v5, v4  }
0xc4: {  	v33 =	vor.u32 $0x6, v1;
	v32 =	vld.idx.msk [tilespmem:v6+s13+$0x0], $0xffff  }
0xc5: {  	v13 =	vld.idx.msk [tilespmem:v8+s12+$0x0], $0xffff;
	v3 =	vmul.f32 v3, v7;
	v4 =	vadd.f32 v4, v9  }
0xc6: {  	v35 =	vor.u32 $0x7, v1;
	v34 =	vld.idx.msk [tilespmem:v8+s13+$0x0], $0xffff  }
0xc7: {  	v36 =	vld.idx.msk [tilespmem:v11+s12+$0x0], $0xffff;
	v2 =	vmul.f32 v2, v10;
	v3 =	vadd.f32 v3, v4  }
0xc8: {  	v38 =	vor.u32 $0x8, v1;
	v37 =	vld.idx.msk [tilespmem:v11+s13+$0x0], $0xffff  }
0xc9: {  	v39 =	vld.idx.msk [tilespmem:v33+s12+$0x0], $0xffff;
	v2 =	vadd.f32 v2, v3;
	v3 =	vmul.f32 v32, v12  }
0xca: {  	v41 =	vor.u32 $0x9, v1;
	v40 =	vld.idx.msk [tilespmem:v33+s13+$0x0], $0xffff  }
0xcb: {  	v42 =	vld.idx.msk [tilespmem:v35+s12+$0x0], $0xffff;
	v2 =	vadd.f32 v3, v2;
	v3 =	vmul.f32 v34, v13  }
0xcc: {  	v44 =	vor.u32 $0xA, v1;
	v43 =	vld.idx.msk [tilespmem:v35+s13+$0x0], $0xffff  }
0xcd: {  	v45 =	vld.idx.msk [tilespmem:v38+s12+$0x0], $0xffff;
	v2 =	vadd.f32 v3, v2;
	v3 =	vmul.f32 v37, v36  }
0xce: {  	v47 =	vor.u32 $0xB, v1;
	v46 =	vld.idx.msk [tilespmem:v38+s13+$0x0], $0xffff  }
0xcf: {  	v48 =	vld.idx.msk [tilespmem:v41+s12+$0x0], $0xffff;
	v2 =	vadd.f32 v3, v2;
	v3 =	vmul.f32 v40, v39  }
0xd0: {  	v50 =	vor.u32 $0xC, v1;
	v49 =	vld.idx.msk [tilespmem:v41+s13+$0x0], $0xffff  }
0xd1: {  	v51 =	vld.idx.msk [tilespmem:v44+s12+$0x0], $0xffff;
	v2 =	vadd.f32 v3, v2;
	v3 =	vmul.f32 v43, v42  }
0xd2: {  	v53 =	vor.u32 $0xD, v1;
	v52 =	vld.idx.msk [tilespmem:v44+s13+$0x0], $0xffff  }
0xd3: {  	v54 =	vld.idx.msk [tilespmem:v47+s12+$0x0], $0xffff;
	v2 =	vadd.f32 v3, v2;
	v3 =	vmul.f32 v46, v45  }
0xd4: {  	v56 =	vor.u32 $0xE, v1;
	v55 =	vld.idx.msk [tilespmem:v47+s13+$0x0], $0xffff  }
0xd5: {  	v57 =	vld.idx.msk [tilespmem:v50+s12+$0x0], $0xffff;
	v2 =	vadd.f32 v3, v2;
	v3 =	vmul.f32 v49, v48  }
0xd6: {  	v1 =	vor.u32 $0xF, v1;
	v58 =	vld.idx.msk [tilespmem:v50+s13+$0x0], $0xffff  }
0xd7: {  	v59 =	vld.idx.msk [tilespmem:v53+s12+$0x0], $0xffff;
	v2 =	vadd.f32 v3, v2;
	v3 =	vmul.f32 v52, v51  }
0xd8: {  	v60 =	vld.idx.msk [tilespmem:v53+s13+$0x0], $0xffff  }
0xd9: {  	v61 =	vld.idx.msk [tilespmem:v56+s12+$0x0], $0xffff;
	v2 =	vadd.f32 v3, v2;
	v3 =	vmul.f32 v55, v54  }
0xda: {  	v62 =	vld.idx.msk [tilespmem:v56+s13+$0x0], $0xffff  }
0xdb: {  	v63 =	vld.idx.msk [tilespmem:v1+s12+$0x0], $0xffff;
	v2 =	vadd.f32 v3, v2;
	v3 =	vmul.f32 v58, v57  }
0xdc: {  	v1 =	vld.idx.msk [tilespmem:v1+s13+$0x0], $0xffff  }
0xdd: {  	v2 =	vadd.f32 v3, v2;
	v3 =	vmul.f32 v60, v59;
	_ =	sdelay $0x1  }
0xde: {  	v2 =	vadd.f32 v3, v2;
	v3 =	vmul.f32 v62, v61;
	_ =	sdelay $0x1  }
0xdf: {  	v1 =	vmul.f32 v1, v63;
	v2 =	vadd.f32 v3, v2;
	_ =	sdelay $0x1  }
0xe0: {  	v1 =	vadd.f32 v1, v2;
	_ =	sdelay $0x1  }
0xe1: {  	v1 =	vsub.f32 $0.0e+00, v1;
	_ =	sdelay $0x1  }
0xe2: {  	v1 =	vmul.f32 $1.442695020e+00, v1;
	_ =	sdelay $0x1  }
0xe3: {  	(erf) = vpow2.f32 v1;
	_ =	sdelay $0x8  }
0xe4: {  	v1 =	vpop (erf)  }
0xe5: {  	v1 =	vadd.f32 $1.000000000e+00, v1;
	_ =	sdelay $0x1  }
0xe6: {  	(erf) = vrcp.f32 v1;
	_ =	sdelay $0x7  }
0xe7: {  	s16 =	sadd.s32 $0x1, s16  }
0xe8: {  	s31 =	sadd.s32 $0x10, s18;
	p0 =	sne.s32 s16, s9;
	v1 =	vpop (erf)  }
.Ltmp1:
0xe9: {  	[tilespmem:s31+$0x0] =	vst v1;
	(pc) =	sbr.rel @p0 .LBB2_1-.Ltmp1, $4  }
0xea: {  	[hbm4b:s8+s1] =	stream.linear.scatter [tilespmem:s15], [sflag:$0x2], $0x200, $0x38;
	[tilespmem:$0x4800] =	vst v63  }
0xeb: {  	_ =	swait.ge [sflag:s10], $0x200  }
0xec: {  	[sflag:s10] =	ssyncset.done $0x0  }
0xed: {  	[sflag:s10] =	ssyncadd.s32 $0xFFFFFE00  }
0xee: {  	_ =	sfence.sel $0x180000  }
0xef: {  	[bflag:$0x0] =	sbarrier.arrive $0xFFFF  }
0xf0: {  	p0 =	sne.s32 s2, $0x0;
	_ =	strace $0x90000047  }
0xf1: {  	s0 =	sadd.s32 @!p0 $0x100000, s0;
	[bflag:$0x2] =	sbarrier.arrive $0xFFFF  }
0xf2: {  	[sflag:s0] =	ssyncadd.tile.s32 @!p0 $0x1;
	_ =	shalt  }
.Lfunc_end2:
_tile_overlayer_lowered:
.L_overlay_start_2:
0xf3: {  	(tag) =	ssettag $0x2  }
0xf4: {  	s0 =	rddreg [dreg:$0x0];
	s2 =	stileid.u32  }
0xf5: {  	s1 =	rddreg [dreg:$0x1];
	p0 =	sne.s32 s2, $0x0  }
0xf6: {  	s3 =	rddreg [dreg:$0x2];
	[bflag:$0x3] =	sbarrier.arrive $0xFFFF;
	s2 =	simm.s32 @!p0 $0x1C02  }
0xf7: {  	[timem:s3], [sflag:s2] =	dma.local @!p0 [hbm:s0], s1  }
0xf8: {  	s0 =	simm.s32 @!p0 $0x2  }
0xf9: {  	_ =	swait.ge @!p0 [sflag:s0], s1  }
0xfa: {  	s1 =	ssub.s32 @!p0 $0x0, s1;
	[sflag:s0] =	ssyncset.done @!p0 $0x0  }
0xfb: {  	[sflag:s0] =	ssyncadd.s32 @!p0 s1  }
0xfc: {  	[bflag:$0x3] =	sbarrier.arrive $0xFFFF  }
0xfd: {  	_ =	shalt  }

</sc_bundles>
